<compile_context>
chip_gen: v7x
topology: tpu7x:2x2x1
jax: 0.10.2.dev20260603
libtpu: 0.0.44.dev20260713+nightly
codegen_flags: <defaults>
</compile_context>

<pallas_src>
import functools

import jax
import jax.numpy as jnp
from jax import lax
from jax.experimental import pallas as pl
from jax.experimental.pallas import tpu as pltpu
from jax.experimental.pallas import tpu_sc as plsc


def _sc_copy_1d(x):
    n = x.shape[0]
    info = plsc.get_sparse_core_info()
    nc, ns = info.num_cores, info.num_subcores
    nw = nc * ns
    per_w = n // nw
    nchunk = 2
    c = per_w // nchunk

    mesh = plsc.VectorSubcoreMesh(core_axis_name="c", subcore_axis_name="s")

    @functools.partial(
        pl.kernel,
        mesh=mesh,
        out_type=jax.ShapeDtypeStruct((n,), x.dtype),
        scratch_types=[
            pltpu.VMEM((nchunk, c), jnp.float32),
            pltpu.SemaphoreType.DMA((nchunk,)),
            pltpu.SemaphoreType.DMA((nchunk,)),
        ],
    )
    def sc_copy(x_hbm, o_hbm, buf, lsem, ssem):
        wid = lax.axis_index("s") * nc + lax.axis_index("c")
        base = wid * per_w

        def ld(j):
            return pltpu.make_async_copy(
                x_hbm.at[pl.ds(base + j * c, c)], buf.at[j], lsem.at[j])

        def st(j):
            return pltpu.make_async_copy(
                buf.at[j], o_hbm.at[pl.ds(base + j * c, c)], ssem.at[j])

        for j in range(nchunk):
            ld(j).start()
        for j in range(nchunk):
            ld(j).wait()
            st(j).start()
        for j in range(nchunk):
            st(j).wait()

    return sc_copy(x)


def kernel(x):
    squeeze_batch = False
    if x.ndim == 1:
        x = x[None, :]
        squeeze_batch = True
    b, t = x.shape
    out = _sc_copy_1d(x.reshape(-1)).reshape(b, t)
    if squeeze_batch:
        out = out[0]
    return out

# --- scband reference (transcript-rebuilt; emitter-appended) ---
"""Pipeline reference for scband-audio-effects-chain-73160472920645 (READ-ONLY COPY).

The authoritative reference and input builder live on the scoring server;
editing this copy changes nothing except your own understanding.
"""

import jax, jax.numpy as jnp
import numpy as np

# AudioEffectsChain(sample_rate=44100) is constructed with config=None, which defaults to
# EffectsChainConfig() where every enable_* flag is False (enable_eq=False, enable_chorus=False,
# enable_flanger=False, enable_phaser=False, enable_reverb=False, enable_delay=False).
# Therefore the forward pass applies no effect stage and the chain is an identity mapping
# over the input signal x of shape (B, T).

def setup_inputs(seed: int = 0) -> dict:
    key = jax.random.key(seed)
    x = jax.random.normal(key, (32, 131072), dtype=jnp.float32)
    return {"x": x}

def reference(x):
    # With all effects disabled in the default EffectsChainConfig, the effects chain
    # passes the signal through unchanged (each effect module is skipped).
    squeeze_batch = False
    if x.ndim == 1:
        x = x[None, :]
        squeeze_batch = True
    out = x
    if squeeze_batch:
        out = out[0]
    return out

if __name__ == "__main__":
    import jax
    _d = setup_inputs()
    print(jax.jit(kernel)(*tuple(_d.values())))

</pallas_src>

<mosaic_0001>
#map = affine_map<(d0, d1) -> (0)>
module attributes {stable_mosaic.version = 14 : i64} {
  func.func @sc_copy(%arg0: i32, %arg1: i32, %arg2: memref<4194304xf32, #tpu.memory_space<hbm>>, %arg3: memref<4194304xf32, #tpu.memory_space<hbm>>, %arg4: memref<2x65536xf32, #tpu.memory_space<vmem>>, %arg5: memref<2x!tpu.dma_semaphore, #tpu.memory_space<semaphore_mem>>, %arg6: memref<2x!tpu.dma_semaphore, #tpu.memory_space<semaphore_mem>>) attributes {dimension_semantics = [#tpu.dimension_semantics<core_parallel>, #tpu.dimension_semantics<subcore_parallel>], iteration_bounds = array<i64: 2, 16>, scalar_prefetch = 0 : i64, scratch_operands = 3 : i64, tpu.core_type = #tpu.core_type<sc_vector_subcore>, window_params = [{transform_indices = #map}, {transform_indices = #map}]} {
    %mul3A = arith.constant 2 : i32
    %mul3A_0 = arith.muli %arg1, %mul3A : i32
    %add3A = arith.addi %mul3A_0, %arg0 : i32
    %mul3A_1 = arith.constant 131072 : i32
    %mul3A_2 = arith.muli %add3A, %mul3A_1 : i32
    %add3A_3 = arith.constant 0 : i32
    %add3A_4 = arith.addi %mul3A_2, %add3A_3 : i32
    %dma_start3A = arith.constant 0 : i32
    %dma_start3A_5 = arith.constant 0 : i32
    %dma_start3A_6 = arith.constant 0 : i32
    %dma_start3A_7 = tpu.memref_slice %arg4[%dma_start3A, %dma_start3A_6] : memref<2x65536xf32, #tpu.memory_space<vmem>> -> memref<1x65536xf32, #tpu.memory_space<vmem>>
    %dma_start3A_8 = tpu.memref_squeeze %dma_start3A_7 : memref<1x65536xf32, #tpu.memory_space<vmem>> -> memref<65536xf32, #tpu.memory_space<vmem>>
    %dma_start3A_9 = tpu.memref_slice %arg2[%add3A_4] : memref<4194304xf32, #tpu.memory_space<hbm>> -> memref<65536xf32, #tpu.memory_space<hbm>>
    %dma_start3A_10 = tpu.memref_slice %arg5[%dma_start3A_5] : memref<2x!tpu.dma_semaphore, #tpu.memory_space<semaphore_mem>> -> memref<1x!tpu.dma_semaphore, #tpu.memory_space<semaphore_mem>>
    %dma_start3A_11 = tpu.memref_squeeze %dma_start3A_10 : memref<1x!tpu.dma_semaphore, #tpu.memory_space<semaphore_mem>> -> memref<!tpu.dma_semaphore, #tpu.memory_space<semaphore_mem>>
    %dma_start3A_12 = arith.constant 0 : i32
    %dma_start3A_13 = tpu.memref_slice %arg4[%dma_start3A, %dma_start3A_12] : memref<2x65536xf32, #tpu.memory_space<vmem>> -> memref<1x65536xf32, #tpu.memory_space<vmem>>
    %dma_start3A_14 = tpu.memref_squeeze %dma_start3A_13 : memref<1x65536xf32, #tpu.memory_space<vmem>> -> memref<65536xf32, #tpu.memory_space<vmem>>
    %dma_start3A_15 = tpu.memref_slice %arg2[%add3A_4] : memref<4194304xf32, #tpu.memory_space<hbm>> -> memref<65536xf32, #tpu.memory_space<hbm>>
    tpu.enqueue_dma source(%dma_start3A_15 : memref<65536xf32, #tpu.memory_space<hbm>>) target(%dma_start3A_14 : memref<65536xf32, #tpu.memory_space<vmem>>) target_semaphore(%dma_start3A_11 : memref<!tpu.dma_semaphore, #tpu.memory_space<semaphore_mem>>)
    %add3A_16 = arith.constant 65536 : i32
    %add3A_17 = arith.addi %mul3A_2, %add3A_16 : i32
    %dma_start3A_18 = arith.constant 1 : i32
    %dma_start3A_19 = arith.constant 1 : i32
    %dma_start3A_20 = arith.constant 0 : i32
    %dma_start3A_21 = tpu.memref_slice %arg4[%dma_start3A_18, %dma_start3A_20] : memref<2x65536xf32, #tpu.memory_space<vmem>> -> memref<1x65536xf32, #tpu.memory_space<vmem>>
    %dma_start3A_22 = tpu.memref_squeeze %dma_start3A_21 : memref<1x65536xf32, #tpu.memory_space<vmem>> -> memref<65536xf32, #tpu.memory_space<vmem>>
    %dma_start3A_23 = tpu.memref_slice %arg2[%add3A_17] : memref<4194304xf32, #tpu.memory_space<hbm>> -> memref<65536xf32, #tpu.memory_space<hbm>>
    %dma_start3A_24 = tpu.memref_slice %arg5[%dma_start3A_19] : memref<2x!tpu.dma_semaphore, #tpu.memory_space<semaphore_mem>> -> memref<1x!tpu.dma_semaphore, #tpu.memory_space<semaphore_mem>>
    %dma_start3A_25 = tpu.memref_squeeze %dma_start3A_24 : memref<1x!tpu.dma_semaphore, #tpu.memory_space<semaphore_mem>> -> memref<!tpu.dma_semaphore, #tpu.memory_space<semaphore_mem>>
    %dma_start3A_26 = arith.constant 0 : i32
    %dma_start3A_27 = tpu.memref_slice %arg4[%dma_start3A_18, %dma_start3A_26] : memref<2x65536xf32, #tpu.memory_space<vmem>> -> memref<1x65536xf32, #tpu.memory_space<vmem>>
    %dma_start3A_28 = tpu.memref_squeeze %dma_start3A_27 : memref<1x65536xf32, #tpu.memory_space<vmem>> -> memref<65536xf32, #tpu.memory_space<vmem>>
    %dma_start3A_29 = tpu.memref_slice %arg2[%add3A_17] : memref<4194304xf32, #tpu.memory_space<hbm>> -> memref<65536xf32, #tpu.memory_space<hbm>>
    tpu.enqueue_dma source(%dma_start3A_29 : memref<65536xf32, #tpu.memory_space<hbm>>) target(%dma_start3A_28 : memref<65536xf32, #tpu.memory_space<vmem>>) target_semaphore(%dma_start3A_25 : memref<!tpu.dma_semaphore, #tpu.memory_space<semaphore_mem>>)
    %add3A_30 = arith.constant 0 : i32
    %add3A_31 = arith.addi %mul3A_2, %add3A_30 : i32
    %dma_wait3A = arith.constant 0 : i32
    %dma_wait3A_32 = arith.constant 0 : i32
    %dma_wait3A_33 = arith.constant 0 : i32
    %dma_wait3A_34 = tpu.memref_slice %arg4[%dma_wait3A, %dma_wait3A_33] : memref<2x65536xf32, #tpu.memory_space<vmem>> -> memref<1x65536xf32, #tpu.memory_space<vmem>>
    %dma_wait3A_35 = tpu.memref_squeeze %dma_wait3A_34 : memref<1x65536xf32, #tpu.memory_space<vmem>> -> memref<65536xf32, #tpu.memory_space<vmem>>
    %dma_wait3A_36 = tpu.memref_slice %arg2[%add3A_31] : memref<4194304xf32, #tpu.memory_space<hbm>> -> memref<65536xf32, #tpu.memory_space<hbm>>
    %dma_wait3A_37 = tpu.memref_slice %arg5[%dma_wait3A_32] : memref<2x!tpu.dma_semaphore, #tpu.memory_space<semaphore_mem>> -> memref<1x!tpu.dma_semaphore, #tpu.memory_space<semaphore_mem>>
    %dma_wait3A_38 = tpu.memref_squeeze %dma_wait3A_37 : memref<1x!tpu.dma_semaphore, #tpu.memory_space<semaphore_mem>> -> memref<!tpu.dma_semaphore, #tpu.memory_space<semaphore_mem>>
    %dma_wait3A_39 = arith.constant 0 : i32
    %dma_wait3A_40 = tpu.memref_slice %arg4[%dma_wait3A, %dma_wait3A_39] : memref<2x65536xf32, #tpu.memory_space<vmem>> -> memref<1x65536xf32, #tpu.memory_space<vmem>>
    %dma_wait3A_41 = tpu.memref_squeeze %dma_wait3A_40 : memref<1x65536xf32, #tpu.memory_space<vmem>> -> memref<65536xf32, #tpu.memory_space<vmem>>
    %dma_wait3A_42 = tpu.memref_slice %arg2[%add3A_31] : memref<4194304xf32, #tpu.memory_space<hbm>> -> memref<65536xf32, #tpu.memory_space<hbm>>
    tpu.wait_dma2 semaphore(%dma_wait3A_38 : memref<!tpu.dma_semaphore, #tpu.memory_space<semaphore_mem>>) src(%dma_wait3A_42 : memref<65536xf32, #tpu.memory_space<hbm>>) dst(%dma_wait3A_41 : memref<65536xf32, #tpu.memory_space<vmem>>)
    %add3A_43 = arith.constant 0 : i32
    %add3A_44 = arith.addi %mul3A_2, %add3A_43 : i32
    %dma_start3A_45 = arith.constant 0 : i32
    %dma_start3A_46 = arith.constant 0 : i32
    %dma_start3A_47 = arith.constant 0 : i32
    %dma_start3A_48 = tpu.memref_slice %arg4[%dma_start3A_45, %dma_start3A_47] : memref<2x65536xf32, #tpu.memory_space<vmem>> -> memref<1x65536xf32, #tpu.memory_space<vmem>>
    %dma_start3A_49 = tpu.memref_squeeze %dma_start3A_48 : memref<1x65536xf32, #tpu.memory_space<vmem>> -> memref<65536xf32, #tpu.memory_space<vmem>>
    %dma_start3A_50 = tpu.memref_slice %arg3[%add3A_44] : memref<4194304xf32, #tpu.memory_space<hbm>> -> memref<65536xf32, #tpu.memory_space<hbm>>
    %dma_start3A_51 = tpu.memref_slice %arg6[%dma_start3A_46] : memref<2x!tpu.dma_semaphore, #tpu.memory_space<semaphore_mem>> -> memref<1x!tpu.dma_semaphore, #tpu.memory_space<semaphore_mem>>
    %dma_start3A_52 = tpu.memref_squeeze %dma_start3A_51 : memref<1x!tpu.dma_semaphore, #tpu.memory_space<semaphore_mem>> -> memref<!tpu.dma_semaphore, #tpu.memory_space<semaphore_mem>>
    %dma_start3A_53 = tpu.memref_slice %arg3[%add3A_44] : memref<4194304xf32, #tpu.memory_space<hbm>> -> memref<65536xf32, #tpu.memory_space<hbm>>
    %dma_start3A_54 = arith.constant 0 : i32
    %dma_start3A_55 = tpu.memref_slice %arg4[%dma_start3A_45, %dma_start3A_54] : memref<2x65536xf32, #tpu.memory_space<vmem>> -> memref<1x65536xf32, #tpu.memory_space<vmem>>
    %dma_start3A_56 = tpu.memref_squeeze %dma_start3A_55 : memref<1x65536xf32, #tpu.memory_space<vmem>> -> memref<65536xf32, #tpu.memory_space<vmem>>
    tpu.enqueue_dma source(%dma_start3A_56 : memref<65536xf32, #tpu.memory_space<vmem>>) target(%dma_start3A_53 : memref<65536xf32, #tpu.memory_space<hbm>>) target_semaphore(%dma_start3A_52 : memref<!tpu.dma_semaphore, #tpu.memory_space<semaphore_mem>>)
    %add3A_57 = arith.constant 65536 : i32
    %add3A_58 = arith.addi %mul3A_2, %add3A_57 : i32
    %dma_wait3A_59 = arith.constant 1 : i32
    %dma_wait3A_60 = arith.constant 1 : i32
    %dma_wait3A_61 = arith.constant 0 : i32
    %dma_wait3A_62 = tpu.memref_slice %arg4[%dma_wait3A_59, %dma_wait3A_61] : memref<2x65536xf32, #tpu.memory_space<vmem>> -> memref<1x65536xf32, #tpu.memory_space<vmem>>
    %dma_wait3A_63 = tpu.memref_squeeze %dma_wait3A_62 : memref<1x65536xf32, #tpu.memory_space<vmem>> -> memref<65536xf32, #tpu.memory_space<vmem>>
    %dma_wait3A_64 = tpu.memref_slice %arg2[%add3A_58] : memref<4194304xf32, #tpu.memory_space<hbm>> -> memref<65536xf32, #tpu.memory_space<hbm>>
    %dma_wait3A_65 = tpu.memref_slice %arg5[%dma_wait3A_60] : memref<2x!tpu.dma_semaphore, #tpu.memory_space<semaphore_mem>> -> memref<1x!tpu.dma_semaphore, #tpu.memory_space<semaphore_mem>>
    %dma_wait3A_66 = tpu.memref_squeeze %dma_wait3A_65 : memref<1x!tpu.dma_semaphore, #tpu.memory_space<semaphore_mem>> -> memref<!tpu.dma_semaphore, #tpu.memory_space<semaphore_mem>>
    %dma_wait3A_67 = arith.constant 0 : i32
    %dma_wait3A_68 = tpu.memref_slice %arg4[%dma_wait3A_59, %dma_wait3A_67] : memref<2x65536xf32, #tpu.memory_space<vmem>> -> memref<1x65536xf32, #tpu.memory_space<vmem>>
    %dma_wait3A_69 = tpu.memref_squeeze %dma_wait3A_68 : memref<1x65536xf32, #tpu.memory_space<vmem>> -> memref<65536xf32, #tpu.memory_space<vmem>>
    %dma_wait3A_70 = tpu.memref_slice %arg2[%add3A_58] : memref<4194304xf32, #tpu.memory_space<hbm>> -> memref<65536xf32, #tpu.memory_space<hbm>>
    tpu.wait_dma2 semaphore(%dma_wait3A_66 : memref<!tpu.dma_semaphore, #tpu.memory_space<semaphore_mem>>) src(%dma_wait3A_70 : memref<65536xf32, #tpu.memory_space<hbm>>) dst(%dma_wait3A_69 : memref<65536xf32, #tpu.memory_space<vmem>>)
    %add3A_71 = arith.constant 65536 : i32
    %add3A_72 = arith.addi %mul3A_2, %add3A_71 : i32
    %dma_start3A_73 = arith.constant 1 : i32
    %dma_start3A_74 = arith.constant 1 : i32
    %dma_start3A_75 = arith.constant 0 : i32
    %dma_start3A_76 = tpu.memref_slice %arg4[%dma_start3A_73, %dma_start3A_75] : memref<2x65536xf32, #tpu.memory_space<vmem>> -> memref<1x65536xf32, #tpu.memory_space<vmem>>
    %dma_start3A_77 = tpu.memref_squeeze %dma_start3A_76 : memref<1x65536xf32, #tpu.memory_space<vmem>> -> memref<65536xf32, #tpu.memory_space<vmem>>
    %dma_start3A_78 = tpu.memref_slice %arg3[%add3A_72] : memref<4194304xf32, #tpu.memory_space<hbm>> -> memref<65536xf32, #tpu.memory_space<hbm>>
    %dma_start3A_79 = tpu.memref_slice %arg6[%dma_start3A_74] : memref<2x!tpu.dma_semaphore, #tpu.memory_space<semaphore_mem>> -> memref<1x!tpu.dma_semaphore, #tpu.memory_space<semaphore_mem>>
    %dma_start3A_80 = tpu.memref_squeeze %dma_start3A_79 : memref<1x!tpu.dma_semaphore, #tpu.memory_space<semaphore_mem>> -> memref<!tpu.dma_semaphore, #tpu.memory_space<semaphore_mem>>
    %dma_start3A_81 = tpu.memref_slice %arg3[%add3A_72] : memref<4194304xf32, #tpu.memory_space<hbm>> -> memref<65536xf32, #tpu.memory_space<hbm>>
    %dma_start3A_82 = arith.constant 0 : i32
    %dma_start3A_83 = tpu.memref_slice %arg4[%dma_start3A_73, %dma_start3A_82] : memref<2x65536xf32, #tpu.memory_space<vmem>> -> memref<1x65536xf32, #tpu.memory_space<vmem>>
    %dma_start3A_84 = tpu.memref_squeeze %dma_start3A_83 : memref<1x65536xf32, #tpu.memory_space<vmem>> -> memref<65536xf32, #tpu.memory_space<vmem>>
    tpu.enqueue_dma source(%dma_start3A_84 : memref<65536xf32, #tpu.memory_space<vmem>>) target(%dma_start3A_81 : memref<65536xf32, #tpu.memory_space<hbm>>) target_semaphore(%dma_start3A_80 : memref<!tpu.dma_semaphore, #tpu.memory_space<semaphore_mem>>)
    %add3A_85 = arith.constant 0 : i32
    %add3A_86 = arith.addi %mul3A_2, %add3A_85 : i32
    %dma_wait3A_87 = arith.constant 0 : i32
    %dma_wait3A_88 = arith.constant 0 : i32
    %dma_wait3A_89 = arith.constant 0 : i32
    %dma_wait3A_90 = tpu.memref_slice %arg4[%dma_wait3A_87, %dma_wait3A_89] : memref<2x65536xf32, #tpu.memory_space<vmem>> -> memref<1x65536xf32, #tpu.memory_space<vmem>>
    %dma_wait3A_91 = tpu.memref_squeeze %dma_wait3A_90 : memref<1x65536xf32, #tpu.memory_space<vmem>> -> memref<65536xf32, #tpu.memory_space<vmem>>
    %dma_wait3A_92 = tpu.memref_slice %arg3[%add3A_86] : memref<4194304xf32, #tpu.memory_space<hbm>> -> memref<65536xf32, #tpu.memory_space<hbm>>
    %dma_wait3A_93 = tpu.memref_slice %arg6[%dma_wait3A_88] : memref<2x!tpu.dma_semaphore, #tpu.memory_space<semaphore_mem>> -> memref<1x!tpu.dma_semaphore, #tpu.memory_space<semaphore_mem>>
    %dma_wait3A_94 = tpu.memref_squeeze %dma_wait3A_93 : memref<1x!tpu.dma_semaphore, #tpu.memory_space<semaphore_mem>> -> memref<!tpu.dma_semaphore, #tpu.memory_space<semaphore_mem>>
    %dma_wait3A_95 = tpu.memref_slice %arg3[%add3A_86] : memref<4194304xf32, #tpu.memory_space<hbm>> -> memref<65536xf32, #tpu.memory_space<hbm>>
    %dma_wait3A_96 = arith.constant 0 : i32
    %dma_wait3A_97 = tpu.memref_slice %arg4[%dma_wait3A_87, %dma_wait3A_96] : memref<2x65536xf32, #tpu.memory_space<vmem>> -> memref<1x65536xf32, #tpu.memory_space<vmem>>
    %dma_wait3A_98 = tpu.memref_squeeze %dma_wait3A_97 : memref<1x65536xf32, #tpu.memory_space<vmem>> -> memref<65536xf32, #tpu.memory_space<vmem>>
    tpu.wait_dma2 semaphore(%dma_wait3A_94 : memref<!tpu.dma_semaphore, #tpu.memory_space<semaphore_mem>>) src(%dma_wait3A_98 : memref<65536xf32, #tpu.memory_space<vmem>>) dst(%dma_wait3A_95 : memref<65536xf32, #tpu.memory_space<hbm>>)
    %add3A_99 = arith.constant 65536 : i32
    %add3A_100 = arith.addi %mul3A_2, %add3A_99 : i32
    %dma_wait3A_101 = arith.constant 1 : i32
    %dma_wait3A_102 = arith.constant 1 : i32
    %dma_wait3A_103 = arith.constant 0 : i32
    %dma_wait3A_104 = tpu.memref_slice %arg4[%dma_wait3A_101, %dma_wait3A_103] : memref<2x65536xf32, #tpu.memory_space<vmem>> -> memref<1x65536xf32, #tpu.memory_space<vmem>>
    %dma_wait3A_105 = tpu.memref_squeeze %dma_wait3A_104 : memref<1x65536xf32, #tpu.memory_space<vmem>> -> memref<65536xf32, #tpu.memory_space<vmem>>
    %dma_wait3A_106 = tpu.memref_slice %arg3[%add3A_100] : memref<4194304xf32, #tpu.memory_space<hbm>> -> memref<65536xf32, #tpu.memory_space<hbm>>
    %dma_wait3A_107 = tpu.memref_slice %arg6[%dma_wait3A_102] : memref<2x!tpu.dma_semaphore, #tpu.memory_space<semaphore_mem>> -> memref<1x!tpu.dma_semaphore, #tpu.memory_space<semaphore_mem>>
    %dma_wait3A_108 = tpu.memref_squeeze %dma_wait3A_107 : memref<1x!tpu.dma_semaphore, #tpu.memory_space<semaphore_mem>> -> memref<!tpu.dma_semaphore, #tpu.memory_space<semaphore_mem>>
    %dma_wait3A_109 = tpu.memref_slice %arg3[%add3A_100] : memref<4194304xf32, #tpu.memory_space<hbm>> -> memref<65536xf32, #tpu.memory_space<hbm>>
    %dma_wait3A_110 = arith.constant 0 : i32
    %dma_wait3A_111 = tpu.memref_slice %arg4[%dma_wait3A_101, %dma_wait3A_110] : memref<2x65536xf32, #tpu.memory_space<vmem>> -> memref<1x65536xf32, #tpu.memory_space<vmem>>
    %dma_wait3A_112 = tpu.memref_squeeze %dma_wait3A_111 : memref<1x65536xf32, #tpu.memory_space<vmem>> -> memref<65536xf32, #tpu.memory_space<vmem>>
    tpu.wait_dma2 semaphore(%dma_wait3A_108 : memref<!tpu.dma_semaphore, #tpu.memory_space<semaphore_mem>>) src(%dma_wait3A_112 : memref<65536xf32, #tpu.memory_space<vmem>>) dst(%dma_wait3A_109 : memref<65536xf32, #tpu.memory_space<hbm>>)
    return
  }
}

</mosaic_0001>

<sc_bundles>
// kernel: kernel.3.cloned.1.call-start
scs
__scs_entry_jumppad:
0x0: {  	(pc) =	sbr.rel $0x88, $3  }
0x1: {  	(tag) =	ssettag $0x0;
	lr =	simm.s32 $0x1  }
0x2: {  	[smem:$0x3FA0] =	sst lr;
	_ =	strace $0xD0000000  }
0x3: {  	_ = 	snop  }
0x4: {  	_ = 	snop  }
0x5: {  	_ = 	snop  }
0x6: {  	_ = 	snop  }
0x7: {  	_ = 	snop  }
__scs_overlays_trampoline_lowered:
0x8: {  	[smem:$0x3FAF] =	sst s0  }
0x9: {  	[smem:$0x3FB0] =	sst s1  }
0xa: {  	[smem:$0x3FB1] =	sst s2  }
0xb: {  	[smem:$0x3FB2] =	sst s3  }
0xc: {  	[smem:$0x3FB3] =	sst s4  }
0xd: {  	[smem:$0x3FB4] =	sst s5  }
0xe: {  	[smem:$0x3FB5] =	sst s6  }
0xf: {  	[smem:$0x3FB6] =	sst s7  }
0x10: {  	[smem:$0x3FB7] =	sst s8  }
0x11: {  	[smem:$0x3FB8] =	sst s9;
	s0 =	simm.s32 @!p0 $0x0  }
0x12: {  	s1 =	sld [smem:$0x3F9E];
	s0 =	simm.s32 @p0 $0x1  }
0x13: {  	[smem:$0x3FB9] =	sst s0;
	s0 =	simm.s32 @!p1 $0x0  }
0x14: {  	s2 =	sld [smem:$0x3F9D];
	s0 =	simm.s32 @p1 $0x1  }
0x15: {  	[smem:$0x3FBA] =	sst s0;
	s0 =	simm.s32 @!p2 $0x0  }
0x16: {  	s3 =	sld [smem:$0x3FDB];
	s0 =	simm.s32 @p2 $0x1  }
0x17: {  	s4 =	simm.s32 $0x1BF5;
	[smem:$0x3FBC] =	sst s0  }
0x18: {  	s0 =	sld [smem:$0x3F9F];
	_ =	swait.ge [sflag:s4], $0x0  }
0x19: {  	s7 =	sld [smem:$0x3FA0]  }
0x1a: {  	s8 =	sadd.s32 $0xFFFFE003, lr  }
0x1b: {  	s9 =	sadd.s32 $0xFFFFFEF7, lr;
	s5 =	simm.s32 $0xFFFFFFFF;
	p2 =	slt.u32 s8, $0xFFFFF086  }
0x1c: {  	p1 =	slt.u32 s9, $0xF7A;
	s5 =	simm.s32 @!p2 $0x0  }
0x1d: {  	s5 =	simm.s32 @p1 $0x1;
	p0 =	seq.s32 s7, s2  }
0x1e: {  	s7 =	smul.u32 @!p0 $0xF7A, s2;
	p2 =	seq.s32 @!p0 s5, $0x0  }
0x1f: {  	s9 =	smul.u32 $0xF7A, s1;
	s8 =	simm.s32 @!p0 $0x1BF5;
	p2 =	por !p2, p0  }
0x20: {  	[sflag:s8] =	ssyncset.s32 @!p0 $0xFFFFF086;
	s6 =	sadd.s32 @!p0 s3, s7;
	s7 =	simm.s32 @!p0 $0x108  }
0x21: {  	s3 =	sadd.s32 s3, s9;
	s6 =	sadd.s32 @!p0 $0x88, s6;
	s7 =	simm.s32 @p2 $0x1082  }
0x22: {  	[simem:s7], [sflag:s8] =	dma.local @!p0 [hbm:s6], $0xF7A  }
0x23: {  	s9 =	sor.u32 $0xD0000000, s2;
	s6 =	simm.s32 $0x108;
	_ =	swait.ge @!p0 [sflag:s8], $0x0  }
0x24: {  	s3 =	sadd.s32 $0x88, s3;
	s6 =	simm.s32 @!p1 $0x1082;
	[sflag:s4] =	ssyncset.s32 $0xFFFFF086  }
0x25: {  	[simem:s6], [sflag:s4] =	dma.local [hbm:s3], $0xF7A  }
0x26: {  	[smem:$0x3FA0] =	sst s1;
	(tag) =	ssettag s2;
	_ =	strace s9  }
0x27: {  	s1 =	sld [smem:$0x3FB0]  }
0x28: {  	s2 =	sld [smem:$0x3FB1]  }
0x29: {  	s4 =	sld [smem:$0x3FB3]  }
0x2a: {  	p0 =	seq.s32 s5, $0x0;
	s5 =	sld [smem:$0x3FB4]  }
0x2b: {  	s6 =	sld [smem:$0x3FB5]  }
0x2c: {  	s7 =	sld [smem:$0x3FB6]  }
0x2d: {  	s3 =	simm.s32 $0x108;
	s8 =	sld [smem:$0x3FB7]  }
0x2e: {  	s3 =	simm.s32 @!p0 $0x1082;
	s9 =	sld [smem:$0x3FB8]  }
0x2f: {  	lr =	sadd.s32 s0, s3;
	s0 =	sld [smem:$0x3FAF]  }
0x30: {  	s3 =	sld [smem:$0x3FB2]  }
0x31: {  	[smem:$0x3FBB] =	sst s10  }
0x32: {  	s10 =	sld [smem:$0x3FB9];
	_ =	sdelay $0x3  }
0x33: {  	p0 =	seq.s32 s10, $0x1;
	s10 =	sld [smem:$0x3FBB];
	_ =	sdelay $0x3  }
0x34: {  	[smem:$0x3FBB] =	sst s10  }
0x35: {  	s10 =	sld [smem:$0x3FBA];
	_ =	sdelay $0x3  }
0x36: {  	p1 =	seq.s32 s10, $0x1;
	s10 =	sld [smem:$0x3FBB];
	_ =	sdelay $0x3  }
0x37: {  	[smem:$0x3FBB] =	sst s10  }
0x38: {  	s10 =	sld [smem:$0x3FBC]  }
0x39: {  	_ = 	snop;
	(pc) =	sbr.ind lr, $3  }
0x3a: {  	_ = 	snop  }
0x3b: {  	_ = 	snop  }
0x3c: {  	p2 =	seq.s32 s10, $0x1;
	s10 =	sld [smem:$0x3FBB]  }
0x3d: {  	_ =	shalt  }
0x3e: {  	_ =	shalt  }
0x3f: {  	_ =	shalt  }
0x40: {  	_ =	shalt  }
0x41: {  	_ =	shalt  }
0x42: {  	_ =	shalt  }
0x43: {  	_ =	shalt  }
0x44: {  	_ =	shalt  }
0x45: {  	_ =	shalt  }
0x46: {  	_ =	shalt  }
0x47: {  	_ =	shalt  }
0x48: {  	_ =	shalt  }
0x49: {  	_ =	shalt  }
0x4a: {  	_ =	shalt  }
0x4b: {  	_ =	shalt  }
0x4c: {  	_ =	shalt  }
0x4d: {  	_ =	shalt  }
0x4e: {  	_ =	shalt  }
0x4f: {  	_ =	shalt  }
0x50: {  	_ =	shalt  }
0x51: {  	_ =	shalt  }
0x52: {  	_ =	shalt  }
0x53: {  	_ =	shalt  }
0x54: {  	_ =	shalt  }
0x55: {  	_ =	shalt  }
0x56: {  	_ =	shalt  }
0x57: {  	_ =	shalt  }
0x58: {  	_ =	shalt  }
0x59: {  	_ =	shalt  }
0x5a: {  	_ =	shalt  }
0x5b: {  	_ =	shalt  }
0x5c: {  	_ =	shalt  }
0x5d: {  	_ =	shalt  }
0x5e: {  	_ =	shalt  }
0x5f: {  	_ =	shalt  }
0x60: {  	_ =	shalt  }
0x61: {  	_ =	shalt  }
0x62: {  	_ =	shalt  }
0x63: {  	_ =	shalt  }
0x64: {  	_ =	shalt  }
0x65: {  	_ =	shalt  }
0x66: {  	_ =	shalt  }
0x67: {  	_ =	shalt  }
0x68: {  	_ =	shalt  }
0x69: {  	_ =	shalt  }
0x6a: {  	_ =	shalt  }
0x6b: {  	_ =	shalt  }
0x6c: {  	_ =	shalt  }
0x6d: {  	_ =	shalt  }
0x6e: {  	_ =	shalt  }
0x6f: {  	_ =	shalt  }
0x70: {  	_ =	shalt  }
0x71: {  	_ =	shalt  }
0x72: {  	_ =	shalt  }
0x73: {  	_ =	shalt  }
0x74: {  	_ =	shalt  }
0x75: {  	_ =	shalt  }
0x76: {  	_ =	shalt  }
0x77: {  	_ =	shalt  }
0x78: {  	_ =	shalt  }
0x79: {  	_ =	shalt  }
0x7a: {  	_ =	shalt  }
0x7b: {  	_ =	shalt  }
0x7c: {  	_ =	shalt  }
0x7d: {  	_ =	shalt  }
0x7e: {  	_ =	shalt  }
0x7f: {  	_ =	shalt  }
0x80: {  	_ =	shalt  }
0x81: {  	_ =	shalt  }
0x82: {  	_ =	shalt  }
0x83: {  	_ =	shalt  }
0x84: {  	_ =	shalt  }
0x85: {  	_ =	shalt  }
0x86: {  	_ =	shalt  }
0x87: {  	_ =	shalt  }
.Lfunc_end0:
.L_simem_size_0:
called_computation_lowered:
.L_overlay_start_0:
0x88: {  	s2 =	sld [smem:$0x3FD9]  }
0x89: {  	s3 =	sld [smem:$0x3FFE];
	_ =	sdelay $0x1  }
0x8a: {  	s1 =	srdreg.scid  }
0x8b: {  	s0 =	sand.u32 $0x1, s1  }
0x8c: {  	s17 =	sshll.u32 s0, $0xA;
	s2 =	sadd.s32 s3, s2  }
0x8d: {  	s2 =	sadd.s32 s2, s17  }
0x8e: {  	[smem:$0x3FC7] =	sst s2  }
0x8f: {  	_ = 	snop  }
0x90: {  	s2 =	sld [smem:$0x3FD0];
	(tm) =	ssettm $0x1  }
0x91: {  	s18 =	sld [smem:$0x3FFB];
	_ =	sdelay $0x3  }
0x92: {  	_ =	strace s18  }
0x93: {  	s3 =	sld [smem:$0x3FFC];
	_ =	sdelay $0x3  }
0x94: {  	_ =	strace s3  }
0x95: {  	s3 =	sld [smem:$0x3FFD];
	_ =	sdelay $0x3  }
0x96: {  	_ =	strace s3  }
0x97: {  	_ =	strace $0x8FFFFFFF  }
0x98: {  	s19 =	sld [smem:$0x3FDB];
	_ =	sdelay $0x1  }
0x99: {  	s4 =	simm.s32 $_scs_section_size  }
0x9a: {  	s5 =	simm.s32 $_size__tile_overlayer_lowered;
	s6 =	simm.s32 $_tile_overlayer_lowered  }
0x9b: {  	s22 =	simm.s32 $0x1BFF;
	s21 =	sshll.u32 s6, $0x1;
	s3 =	sadd.s32 s4, s19  }
0x9c: {  	s7 =	simm.s32 $0x0;
	s20 =	sshll.u32 s5, $0x1;
	s5 =	sadd.s32 s21, s3  }
0x9d: {  	[timem:s7], [sflag:s22] =	dma.local [hbm:s5], s20  }
0x9e: {  	_ =	swait.ge [sflag:s22], s20  }
0x9f: {  	s4 =	ssub.s32 $0x0, s20;
	[sflag:s22] =	ssyncset.done $0x0  }
0xa0: {  	[sflag:s22] =	ssyncadd.s32 s4;
	_ =	sdelay $0x1  }
0xa1: {  	s23 =	simm.s32 $0x1B8B  }
0xa2: {  	_ =	swait.ge [sflag:s23], $0x1  }
0xa3: {  	[sflag:s23] =	ssyncset.done $0x0  }
0xa4: {  	s25 =	simm.s32 $0x1B8E;
	s24 =	sld [smem:$0x3FFE];
	[sflag:s23] =	ssyncadd.s32 $0xFFFFFFFF  }
0xa5: {  	s26 =	simm.s32 $execute0_lowered;
	[smem:$0x3FD2] =	sst s25  }
0xa6: {  	s5 =	sshll.u32 s26, $0x1;
	_ =	strace $0x80000046;
	[dreg:$0x1] =	wrdreg $0xFFFFFFFF  }
0xa7: {  	s28 =	simm.s32 $_size_execute0_lowered;
	s3 =	sadd.s32 s3, s5;
	[dreg:$0x0] =	wrdreg $0x0  }
0xa8: {  	s5 =	sshll.u32 s28, $0x1;
	[dreg:$0x2] =	wrdreg s3  }
0xa9: {  	[dreg:$0x3] =	wrdreg s5  }
0xaa: {  	[dreg:$0x4] =	wrdreg $0xC0  }
0xab: {  	_ =	task [dreg:s7], $0x5FFFF  }
0xac: {  	[dreg:$0x1] =	wrdreg $0xFFFFFFFF  }
0xad: {  	[dreg:$0x0] =	wrdreg $0x60  }
0xae: {  	[dreg:$0x2] =	wrdreg s2  }
0xaf: {  	[dreg:$0x3] =	wrdreg s24  }
0xb0: {  	[dreg:$0x4] =	wrdreg $0x9  }
0xb1: {  	_ =	task.clear_ibuf [dreg:s7], $0x5FFFF;
	_ =	strace $0x90000046  }
0xb2: {  	s29 =	simm.s32 $0x9;
	_ =	strace $0x80000048  }
0xb3: {  	_ =	swait.ge [sflag:s29], $0x1  }
0xb4: {  	[sflag:s29] =	ssyncadd.s32 $0xFFFFFFFF  }
0xb5: {  	_ =	strace $0x90000048  }
0xb6: {  	_ =	sfence  }
0xb7: {  	s30 =	sld [smem:$0x0];
	_ =	sdelay $0x2  }
0xb8: {  	s31 =	sshll.u32 s1, $0xD;
	s1 =	sshrl.u32 s1, $0x2  }
0xb9: {  	s3 =	sand.u32 $0x4000, s31;
	s1 =	sadd.s32 s1, s30  }
0xba: {  	s0 =	sor.u32 s3, s0;
	s1 =	sshll.u32 s1, $0x11  }
0xbb: {  	s0 =	sor.u32 s1, s0  }
0xbc: {  	s0 =	sadd.s32 $0x8F2B, s0  }
0xbd: {  	[sflag:s0] =	ssyncadd.remote.s32 $0x1  }
0xbe: {  	_ =	sfence.sel $0xFFFF  }
0xbf: {  	[dreg:$0x0] =	wrdreg $0xFFFFFFFF;
	(pc) =	sbr.abs _section_cstart, $3  }
0xc0: {  	[dreg:$0x1] =	wrdreg $0xFFFFFFFF  }
0xc1: {  	_ =	task.clear_ibuf [dreg:s7], $0x2FFFF;
	_ =	strace $0x9FFFFFFF  }
0xc2: {  	(tm) =	ssettm $0x7FFFFFFF  }
0xc3: {  	_ =	shalt  }
tec
execute0_lowered:
.L_overlay_start_1:
0x0: {  	(tag) =	ssettag $0x1  }
0x1: {  	s4 =	rddreg [dreg:$0x0]  }
0x2: {  	s3 =	rddreg [dreg:$0x1]  }
0x3: {  	s0 =	rddreg [dreg:$0x2]  }
0x4: {  	s2 =	simm.s32 $0x0;
	s5 =	srdreg.scid;
	s1 =	stileid.u32  }
0x5: {  	s9 =	simm.s32 $0x2;
	s10 =	simm.s32 $0x3;
	s11 =	simm.s32 $0x4  }
0x6: {  	s12 =	simm.s32 $0x0;
	[smem:$0x7FF] =	sst s2;
	s5 =	sand.u32 $0x1, s5  }
0x7: {  	s7 =	sshll.u32 s1, $0xF;
	s6 =	ssub.s32 $0x2, s5;
	s5 =	sshll.u32 s5, $0xE  }
0x8: {  	s8 =	sadd.s32 $0x400, s3;
	s29 =	sshrl.u32 s6, $0x1;
	s5 =	sor.u32 s5, s7  }
0x9: {  	_ =	strace $0x80000047;
	s30 =	ssub.s32 s6, s29;
	s31 =	sor.u32 $0x2000, s5  }
0xa: {  	s3 =	sadd.s32 s4, s5;
	s5 =	sadd.s32 s8, s5;
	s4 =	sadd.s32 s4, s31  }
0xb: {  	s6 =	sadd.s32 s8, s31;
	s7 =	smax.u32 s30, $0x1;
	s8 =	simm.s32 $0x1  }
.LBB2_1:
0xc: {  	s13 =	simm.s32 $0x10  }
0xd: {  	s16 =	sadd.s32 $0x0, s3;
	s14 =	simm.s32 $0x100;
	s15 =	simm.s32 $0x0  }
.LBB2_2:
0xe: {  	[tilespmem:s15], [sflag:$0x1] =	stream.linear.gather [hbm4b:s16+s2], $0x80, $0x38;
	v63 =	vld [tilespmem:$0x0]  }
0xf: {  	s16 =	smov.u32 s13;
	s15 =	smov.u32 s14;
	p0 =	sne.s32 s13, $0x1FF0  }
.Ltmp0:
0x10: {  	s13 =	sadd.s32 $0x10, s13;
	(pc) =	sbr.rel @p0 .LBB2_2-.Ltmp0, $2  }
0x11: {  	_ =	sdelay $0x2  }
0x12: {  	s14 =	sadd.s32 $0x100, s14;
	s16 =	sadd.s32 s16, s3  }
0x13: {  	[tilespmem:s15], [sflag:$0x1] =	stream.linear.gather [hbm4b:s16+s2], $0x80, $0x38;
	v63 =	vld [tilespmem:$0x0]  }
0x14: {  	s13 =	simm.s32 $0x80  }
0x15: {  	s14 =	simm.s32 $0x10;
	s16 =	sadd.s32 $0x0, s4;
	s15 =	simm.s32 $0x180  }
.LBB2_4:
0x16: {  	[tilespmem:s13], [sflag:$0x2] =	stream.linear.gather [hbm4b:s16+s2], $0x80, $0x38;
	v63 =	vld [tilespmem:$0x0]  }
0x17: {  	s16 =	smov.u32 s14;
	s13 =	smov.u32 s15;
	p0 =	sne.s32 s14, $0x1FF0  }
.Ltmp1:
0x18: {  	s14 =	sadd.s32 $0x10, s14;
	(pc) =	sbr.rel @p0 .LBB2_4-.Ltmp1, $2  }
0x19: {  	_ =	sdelay $0x2  }
0x1a: {  	s15 =	sadd.s32 $0x100, s15;
	s16 =	sadd.s32 s16, s4  }
0x1b: {  	[tilespmem:s13], [sflag:$0x2] =	stream.linear.gather [hbm4b:s16+s2], $0x80, $0x38;
	v63 =	vld [tilespmem:$0x0]  }
0x1c: {  	_ =	swait.ge [sflag:s8], $0x10000  }
0x1d: {  	s13 =	simm.s32 $0x0;
	s14 =	simm.s32 $0x10;
	[sflag:s8] =	ssyncset.done $0x0  }
0x1e: {  	s16 =	sadd.s32 $0x0, s5;
	s15 =	simm.s32 $0x100;
	[sflag:s8] =	ssyncadd.s32 $0xFFFF0000  }
.LBB2_6:
0x1f: {  	[hbm4b:s16+s2] =	stream.linear.scatter [tilespmem:s13], [sflag:$0x3], $0x80, $0x38;
	v63 =	vld [tilespmem:$0x0]  }
0x20: {  	s16 =	smov.u32 s14;
	s13 =	smov.u32 s15;
	p0 =	sne.s32 s14, $0x1FF0  }
.Ltmp2:
0x21: {  	s14 =	sadd.s32 $0x10, s14;
	(pc) =	sbr.rel @p0 .LBB2_6-.Ltmp2, $2  }
0x22: {  	_ =	sdelay $0x2  }
0x23: {  	s15 =	sadd.s32 $0x100, s15;
	s16 =	sadd.s32 s16, s5  }
0x24: {  	[hbm4b:s16+s2] =	stream.linear.scatter [tilespmem:s13], [sflag:$0x3], $0x80, $0x38;
	v63 =	vld [tilespmem:$0x0]  }
0x25: {  	_ =	swait.ge [sflag:s9], $0x10000  }
0x26: {  	s13 =	simm.s32 $0x80;
	s14 =	simm.s32 $0x10;
	[sflag:s9] =	ssyncset.done $0x0  }
0x27: {  	s16 =	sadd.s32 $0x0, s6;
	s15 =	simm.s32 $0x180;
	[sflag:s9] =	ssyncadd.s32 $0xFFFF0000  }
.LBB2_8:
0x28: {  	[hbm4b:s16+s2] =	stream.linear.scatter [tilespmem:s13], [sflag:$0x4], $0x80, $0x38;
	v63 =	vld [tilespmem:$0x0]  }
0x29: {  	s16 =	smov.u32 s14;
	s13 =	smov.u32 s15;
	p0 =	sne.s32 s14, $0x1FF0  }
.Ltmp3:
0x2a: {  	s14 =	sadd.s32 $0x10, s14;
	(pc) =	sbr.rel @p0 .LBB2_8-.Ltmp3, $2  }
0x2b: {  	_ =	sdelay $0x2  }
0x2c: {  	s15 =	sadd.s32 $0x100, s15;
	s16 =	sadd.s32 s16, s6  }
0x2d: {  	[hbm4b:s16+s2] =	stream.linear.scatter [tilespmem:s13], [sflag:$0x4], $0x80, $0x38;
	v63 =	vld [tilespmem:$0x0]  }
0x2e: {  	s12 =	sadd.s32 $0x1, s12  }
0x2f: {  	_ =	swait.ge [sflag:s10], $0x10000;
	p0 =	sne.s32 s12, s7  }
.Ltmp4:
0x30: {  	[sflag:s10] =	ssyncset.done $0x0;
	(pc) =	sbr.rel @p0 .LBB2_1-.Ltmp4, $4  }
0x31: {  	[sflag:s10] =	ssyncadd.s32 $0xFFFF0000  }
0x32: {  	_ =	swait.ge [sflag:s11], $0x10000  }
0x33: {  	[sflag:s11] =	ssyncset.done $0x0  }
0x34: {  	[sflag:s11] =	ssyncadd.s32 $0xFFFF0000  }
0x35: {  	_ =	sfence.sel $0x180000  }
0x36: {  	[bflag:$0x0] =	sbarrier.arrive $0xFFFF  }
0x37: {  	p0 =	sne.s32 s1, $0x0;
	_ =	strace $0x90000047  }
0x38: {  	s0 =	sadd.s32 @!p0 $0x100000, s0;
	[bflag:$0x2] =	sbarrier.arrive $0xFFFF  }
0x39: {  	[sflag:s0] =	ssyncadd.tile.s32 @!p0 $0x1;
	_ =	shalt  }
.Lfunc_end2:
_tile_overlayer_lowered:
.L_overlay_start_2:
0x3a: {  	(tag) =	ssettag $0x2  }
0x3b: {  	s0 =	rddreg [dreg:$0x0];
	s2 =	stileid.u32  }
0x3c: {  	s1 =	rddreg [dreg:$0x1];
	p0 =	sne.s32 s2, $0x0  }
0x3d: {  	s3 =	rddreg [dreg:$0x2];
	[bflag:$0x3] =	sbarrier.arrive $0xFFFF;
	s2 =	simm.s32 @!p0 $0x1C05  }
0x3e: {  	[timem:s3], [sflag:s2] =	dma.local @!p0 [hbm:s0], s1  }
0x3f: {  	s0 =	simm.s32 @!p0 $0x5  }
0x40: {  	_ =	swait.ge @!p0 [sflag:s0], s1  }
0x41: {  	s1 =	ssub.s32 @!p0 $0x0, s1;
	[sflag:s0] =	ssyncset.done @!p0 $0x0  }
0x42: {  	[sflag:s0] =	ssyncadd.s32 @!p0 s1  }
0x43: {  	[bflag:$0x3] =	sbarrier.arrive $0xFFFF  }
0x44: {  	_ =	shalt  }

</sc_bundles>
